<compile_context>
chip_gen: v7x
topology: tpu7x:2x2x1
jax: 0.10.2.dev20260603
libtpu: 0.0.44.dev20260713+nightly
codegen_flags: <defaults>
</compile_context>

<pallas_src>
import functools

import jax
import jax.numpy as jnp
from jax import lax
from jax.experimental import pallas as pl
from jax.experimental.pallas import tpu as pltpu
from jax.experimental.pallas import tpu_sc as plsc

_NC = 2
_NS = 16
_NW = _NC * _NS
_L = 16

_TOTAL = 64 * 512 * 512
_PER_W = _TOTAL // _NW
_CHUNK = 16384
_NCHUNK = _PER_W // _CHUNK
_NBUF = 4
_PF = 2


def _body(cm_hbm, img_hbm, out_hbm, cm_v, buf_v, *sems):
    in_sems = sems[:_NBUF]
    out_sems = sems[_NBUF:]
    wid = lax.axis_index("s") * _NC + lax.axis_index("c")
    base = wid * _PER_W
    pltpu.sync_copy(cm_hbm, cm_v)

    def in_copy(ci, b):
        return pltpu.make_async_copy(
            img_hbm.at[pl.ds(base + ci * _CHUNK, _CHUNK)], buf_v.at[b], in_sems[b]
        )

    def out_copy(ci, b):
        return pltpu.make_async_copy(
            buf_v.at[b], out_hbm.at[pl.ds(base + ci * _CHUNK, _CHUNK)], out_sems[b]
        )

    for b in range(_PF):
        in_copy(b, b).start()

    def step(g, _):
        for b in range(_NBUF):
            ci = g * _NBUF + b
            in_copy(ci, b).wait()
            j = ci + _PF

            @pl.when(j < _NCHUNK)
            def _prefetch():
                in_copy(j, (b + _PF) % _NBUF).start()

        return 0

    lax.fori_loop(0, _NCHUNK // _NBUF, step, 0)
    out_copy(0, 0).start()
    out_copy(0, 0).wait()


@jax.jit
def kernel(class_map, img):
    mesh = plsc.VectorSubcoreMesh(core_axis_name="c", subcore_axis_name="s")
    k = functools.partial(
        pl.kernel,
        out_type=jax.ShapeDtypeStruct((_TOTAL,), jnp.int32),
        mesh=mesh,
        scratch_types=[
            pltpu.VMEM((256,), jnp.float32),
            pltpu.VMEM((_NBUF, _CHUNK), jnp.int32),
        ]
        + [pltpu.SemaphoreType.DMA] * (2 * _NBUF),
        compiler_params=pltpu.CompilerParams(needs_layout_passes=False),
    )(_body)
    out = k(class_map, img.reshape(_TOTAL))
    return jax.lax.bitcast_convert_type(out, jnp.float32).reshape(img.shape)

# --- scband reference (transcript-rebuilt; emitter-appended) ---
"""Pipeline reference for scband-merge-class-13073880449051 (READ-ONLY COPY).

The authoritative reference and input builder live on the scoring server;
editing this copy changes nothing except your own understanding.
"""

import jax, jax.numpy as jnp
import numpy as np


def setup_inputs(seed: int = 0) -> dict:
    key = jax.random.key(seed)
    # img: integer class labels in [0, 256)
    img = jax.random.randint(jax.random.fold_in(key, 0), (64, 512, 512), 0, 256, dtype=jnp.int32)
    # class_map: the remapping table passed to __init__ (map[i] = i % 21),
    # materialized as float32 so the lookup is a differentiable table gather.
    class_map = (jnp.arange(256) % 21).astype(jnp.float32)
    return {"class_map": class_map, "img": img}


def reference(class_map, img):
    # Faithful translation of: new_img = self.class_map[img]
    new_img = jnp.take(class_map, img, axis=0)
    return new_img

if __name__ == "__main__":
    import jax
    _d = setup_inputs()
    print(jax.jit(kernel)(*tuple(_d.values())))

</pallas_src>

<mosaic_0001>
#map = affine_map<(d0, d1) -> (0)>
module attributes {stable_mosaic.version = 14 : i64} {
  func.func @_body(%arg0: i32, %arg1: i32, %arg2: memref<256xf32, #tpu.memory_space<hbm>>, %arg3: memref<16777216xi32, #tpu.memory_space<hbm>>, %arg4: memref<16777216xi32, #tpu.memory_space<hbm>>, %arg5: memref<256xf32, #tpu.memory_space<vmem>>, %arg6: memref<4x16384xi32, #tpu.memory_space<vmem>>, %arg7: memref<!tpu.dma_semaphore, #tpu.memory_space<semaphore_mem>>, %arg8: memref<!tpu.dma_semaphore, #tpu.memory_space<semaphore_mem>>, %arg9: memref<!tpu.dma_semaphore, #tpu.memory_space<semaphore_mem>>, %arg10: memref<!tpu.dma_semaphore, #tpu.memory_space<semaphore_mem>>, %arg11: memref<!tpu.dma_semaphore, #tpu.memory_space<semaphore_mem>>, %arg12: memref<!tpu.dma_semaphore, #tpu.memory_space<semaphore_mem>>, %arg13: memref<!tpu.dma_semaphore, #tpu.memory_space<semaphore_mem>>, %arg14: memref<!tpu.dma_semaphore, #tpu.memory_space<semaphore_mem>>) attributes {dimension_semantics = [#tpu.dimension_semantics<core_parallel>, #tpu.dimension_semantics<subcore_parallel>], iteration_bounds = array<i64: 2, 16>, scalar_prefetch = 0 : i64, scratch_operands = 10 : i64, tpu.core_type = #tpu.core_type<sc_vector_subcore>, window_params = [{transform_indices = #map}, {transform_indices = #map}, {transform_indices = #map}]} {
    %mul3A = arith.constant 2 : i32
    %mul3A_0 = arith.muli %arg1, %mul3A : i32
    %add3A = arith.addi %mul3A_0, %arg0 : i32
    %mul3A_1 = arith.constant 524288 : i32
    %mul3A_2 = arith.muli %add3A, %mul3A_1 : i32
    "tpu.region"() ({
      %run_scoped3A = tpu.sem_alloc : memref<!tpu.dma_semaphore, #tpu.memory_space<semaphore_mem>>
      tpu.enqueue_dma source(%arg2 : memref<256xf32, #tpu.memory_space<hbm>>) target(%arg5 : memref<256xf32, #tpu.memory_space<vmem>>) target_semaphore(%run_scoped3A : memref<!tpu.dma_semaphore, #tpu.memory_space<semaphore_mem>>)
      tpu.wait_dma2 semaphore(%run_scoped3A : memref<!tpu.dma_semaphore, #tpu.memory_space<semaphore_mem>>) src(%arg2 : memref<256xf32, #tpu.memory_space<hbm>>) dst(%arg5 : memref<256xf32, #tpu.memory_space<vmem>>)
      tpu.yield
    }) : () -> ()
    %add3A_3 = arith.constant 0 : i32
    %add3A_4 = arith.addi %mul3A_2, %add3A_3 : i32
    %dma_start3A = arith.constant 0 : i32
    %dma_start3A_5 = arith.constant 0 : i32
    %dma_start3A_6 = tpu.memref_slice %arg6[%dma_start3A, %dma_start3A_5] : memref<4x16384xi32, #tpu.memory_space<vmem>> -> memref<1x16384xi32, #tpu.memory_space<vmem>>
    %dma_start3A_7 = tpu.memref_squeeze %dma_start3A_6 : memref<1x16384xi32, #tpu.memory_space<vmem>> -> memref<16384xi32, #tpu.memory_space<vmem>>
    %dma_start3A_8 = tpu.memref_slice %arg3[%add3A_4] : memref<16777216xi32, #tpu.memory_space<hbm>> -> memref<16384xi32, #tpu.memory_space<hbm>>
    %dma_start3A_9 = arith.constant 0 : i32
    %dma_start3A_10 = tpu.memref_slice %arg6[%dma_start3A, %dma_start3A_9] : memref<4x16384xi32, #tpu.memory_space<vmem>> -> memref<1x16384xi32, #tpu.memory_space<vmem>>
    %dma_start3A_11 = tpu.memref_squeeze %dma_start3A_10 : memref<1x16384xi32, #tpu.memory_space<vmem>> -> memref<16384xi32, #tpu.memory_space<vmem>>
    %dma_start3A_12 = tpu.memref_slice %arg3[%add3A_4] : memref<16777216xi32, #tpu.memory_space<hbm>> -> memref<16384xi32, #tpu.memory_space<hbm>>
    tpu.enqueue_dma source(%dma_start3A_12 : memref<16384xi32, #tpu.memory_space<hbm>>) target(%dma_start3A_11 : memref<16384xi32, #tpu.memory_space<vmem>>) target_semaphore(%arg7 : memref<!tpu.dma_semaphore, #tpu.memory_space<semaphore_mem>>)
    %add3A_13 = arith.constant 16384 : i32
    %add3A_14 = arith.addi %mul3A_2, %add3A_13 : i32
    %dma_start3A_15 = arith.constant 1 : i32
    %dma_start3A_16 = arith.constant 0 : i32
    %dma_start3A_17 = tpu.memref_slice %arg6[%dma_start3A_15, %dma_start3A_16] : memref<4x16384xi32, #tpu.memory_space<vmem>> -> memref<1x16384xi32, #tpu.memory_space<vmem>>
    %dma_start3A_18 = tpu.memref_squeeze %dma_start3A_17 : memref<1x16384xi32, #tpu.memory_space<vmem>> -> memref<16384xi32, #tpu.memory_space<vmem>>
    %dma_start3A_19 = tpu.memref_slice %arg3[%add3A_14] : memref<16777216xi32, #tpu.memory_space<hbm>> -> memref<16384xi32, #tpu.memory_space<hbm>>
    %dma_start3A_20 = arith.constant 0 : i32
    %dma_start3A_21 = tpu.memref_slice %arg6[%dma_start3A_15, %dma_start3A_20] : memref<4x16384xi32, #tpu.memory_space<vmem>> -> memref<1x16384xi32, #tpu.memory_space<vmem>>
    %dma_start3A_22 = tpu.memref_squeeze %dma_start3A_21 : memref<1x16384xi32, #tpu.memory_space<vmem>> -> memref<16384xi32, #tpu.memory_space<vmem>>
    %dma_start3A_23 = tpu.memref_slice %arg3[%add3A_14] : memref<16777216xi32, #tpu.memory_space<hbm>> -> memref<16384xi32, #tpu.memory_space<hbm>>
    tpu.enqueue_dma source(%dma_start3A_23 : memref<16384xi32, #tpu.memory_space<hbm>>) target(%dma_start3A_22 : memref<16384xi32, #tpu.memory_space<vmem>>) target_semaphore(%arg8 : memref<!tpu.dma_semaphore, #tpu.memory_space<semaphore_mem>>)
    %scan3A = arith.constant 0 : i32
    %scan3A_24 = arith.constant 0 : i32
    %scan3A_25 = arith.constant 8 : i32
    %scan3A_26 = arith.addi %scan3A_24, %scan3A_25 : i32
    %scan3A_27 = arith.constant 1 : i32
    %scan3A_28 = scf.for %scan3A_51 = %scan3A_24 to %scan3A_26 step %scan3A_27 iter_args(%scan3A_52 = %scan3A) -> (i32)  : i32 {
      %mul3A_53 = arith.constant 4 : i32
      %mul3A_54 = arith.muli %scan3A_51, %mul3A_53 : i32
      %add3A_55 = arith.constant 0 : i32
      %add3A_56 = arith.addi %mul3A_54, %add3A_55 : i32
      %mul3A_57 = arith.constant 16384 : i32
      %mul3A_58 = arith.muli %add3A_56, %mul3A_57 : i32
      %add3A_59 = arith.addi %mul3A_2, %mul3A_58 : i32
      %dma_wait3A_60 = arith.constant 0 : i32
      %dma_wait3A_61 = arith.constant 0 : i32
      %dma_wait3A_62 = tpu.memref_slice %arg6[%dma_wait3A_60, %dma_wait3A_61] : memref<4x16384xi32, #tpu.memory_space<vmem>> -> memref<1x16384xi32, #tpu.memory_space<vmem>>
      %dma_wait3A_63 = tpu.memref_squeeze %dma_wait3A_62 : memref<1x16384xi32, #tpu.memory_space<vmem>> -> memref<16384xi32, #tpu.memory_space<vmem>>
      %dma_wait3A_64 = tpu.memref_slice %arg3[%add3A_59] : memref<16777216xi32, #tpu.memory_space<hbm>> -> memref<16384xi32, #tpu.memory_space<hbm>>
      %dma_wait3A_65 = arith.constant 0 : i32
      %dma_wait3A_66 = tpu.memref_slice %arg6[%dma_wait3A_60, %dma_wait3A_65] : memref<4x16384xi32, #tpu.memory_space<vmem>> -> memref<1x16384xi32, #tpu.memory_space<vmem>>
      %dma_wait3A_67 = tpu.memref_squeeze %dma_wait3A_66 : memref<1x16384xi32, #tpu.memory_space<vmem>> -> memref<16384xi32, #tpu.memory_space<vmem>>
      %dma_wait3A_68 = tpu.memref_slice %arg3[%add3A_59] : memref<16777216xi32, #tpu.memory_space<hbm>> -> memref<16384xi32, #tpu.memory_space<hbm>>
      tpu.wait_dma2 semaphore(%arg7 : memref<!tpu.dma_semaphore, #tpu.memory_space<semaphore_mem>>) src(%dma_wait3A_68 : memref<16384xi32, #tpu.memory_space<hbm>>) dst(%dma_wait3A_67 : memref<16384xi32, #tpu.memory_space<vmem>>)
      %add3A_69 = arith.constant 2 : i32
      %add3A_70 = arith.addi %add3A_56, %add3A_69 : i32
      %lt3A = arith.constant 32 : i32
      %lt3A_71 = arith.cmpi slt, %add3A_70, %lt3A : i32
      %convert_element_type3A = arith.extui %lt3A_71 : i1 to i32
      %cond3A = arith.constant 0 : i32
      %cond3A_72 = arith.cmpi ne, %convert_element_type3A, %cond3A : i32
      scf.if %cond3A_72 {
        %mul3A_143 = arith.constant 16384 : i32
        %mul3A_144 = arith.muli %add3A_70, %mul3A_143 : i32
        %add3A_145 = arith.addi %mul3A_2, %mul3A_144 : i32
        %dma_start3A_146 = arith.constant 2 : i32
        %dma_start3A_147 = arith.constant 0 : i32
        %dma_start3A_148 = tpu.memref_slice %arg6[%dma_start3A_146, %dma_start3A_147] : memref<4x16384xi32, #tpu.memory_space<vmem>> -> memref<1x16384xi32, #tpu.memory_space<vmem>>
        %dma_start3A_149 = tpu.memref_squeeze %dma_start3A_148 : memref<1x16384xi32, #tpu.memory_space<vmem>> -> memref<16384xi32, #tpu.memory_space<vmem>>
        %dma_start3A_150 = tpu.memref_slice %arg3[%add3A_145] : memref<16777216xi32, #tpu.memory_space<hbm>> -> memref<16384xi32, #tpu.memory_space<hbm>>
        %dma_start3A_151 = arith.constant 0 : i32
        %dma_start3A_152 = tpu.memref_slice %arg6[%dma_start3A_146, %dma_start3A_151] : memref<4x16384xi32, #tpu.memory_space<vmem>> -> memref<1x16384xi32, #tpu.memory_space<vmem>>
        %dma_start3A_153 = tpu.memref_squeeze %dma_start3A_152 : memref<1x16384xi32, #tpu.memory_space<vmem>> -> memref<16384xi32, #tpu.memory_space<vmem>>
        %dma_start3A_154 = tpu.memref_slice %arg3[%add3A_145] : memref<16777216xi32, #tpu.memory_space<hbm>> -> memref<16384xi32, #tpu.memory_space<hbm>>
        tpu.enqueue_dma source(%dma_start3A_154 : memref<16384xi32, #tpu.memory_space<hbm>>) target(%dma_start3A_153 : memref<16384xi32, #tpu.memory_space<vmem>>) target_semaphore(%arg9 : memref<!tpu.dma_semaphore, #tpu.memory_space<semaphore_mem>>)
      } else {
      }
      %mul3A_73 = arith.constant 4 : i32
      %mul3A_74 = arith.muli %scan3A_51, %mul3A_73 : i32
      %add3A_75 = arith.constant 1 : i32
      %add3A_76 = arith.addi %mul3A_74, %add3A_75 : i32
      %mul3A_77 = arith.constant 16384 : i32
      %mul3A_78 = arith.muli %add3A_76, %mul3A_77 : i32
      %add3A_79 = arith.addi %mul3A_2, %mul3A_78 : i32
      %dma_wait3A_80 = arith.constant 1 : i32
      %dma_wait3A_81 = arith.constant 0 : i32
      %dma_wait3A_82 = tpu.memref_slice %arg6[%dma_wait3A_80, %dma_wait3A_81] : memref<4x16384xi32, #tpu.memory_space<vmem>> -> memref<1x16384xi32, #tpu.memory_space<vmem>>
      %dma_wait3A_83 = tpu.memref_squeeze %dma_wait3A_82 : memref<1x16384xi32, #tpu.memory_space<vmem>> -> memref<16384xi32, #tpu.memory_space<vmem>>
      %dma_wait3A_84 = tpu.memref_slice %arg3[%add3A_79] : memref<16777216xi32, #tpu.memory_space<hbm>> -> memref<16384xi32, #tpu.memory_space<hbm>>
      %dma_wait3A_85 = arith.constant 0 : i32
      %dma_wait3A_86 = tpu.memref_slice %arg6[%dma_wait3A_80, %dma_wait3A_85] : memref<4x16384xi32, #tpu.memory_space<vmem>> -> memref<1x16384xi32, #tpu.memory_space<vmem>>
      %dma_wait3A_87 = tpu.memref_squeeze %dma_wait3A_86 : memref<1x16384xi32, #tpu.memory_space<vmem>> -> memref<16384xi32, #tpu.memory_space<vmem>>
      %dma_wait3A_88 = tpu.memref_slice %arg3[%add3A_79] : memref<16777216xi32, #tpu.memory_space<hbm>> -> memref<16384xi32, #tpu.memory_space<hbm>>
      tpu.wait_dma2 semaphore(%arg8 : memref<!tpu.dma_semaphore, #tpu.memory_space<semaphore_mem>>) src(%dma_wait3A_88 : memref<16384xi32, #tpu.memory_space<hbm>>) dst(%dma_wait3A_87 : memref<16384xi32, #tpu.memory_space<vmem>>)
      %add3A_89 = arith.constant 2 : i32
      %add3A_90 = arith.addi %add3A_76, %add3A_89 : i32
      %lt3A_91 = arith.constant 32 : i32
      %lt3A_92 = arith.cmpi slt, %add3A_90, %lt3A_91 : i32
      %convert_element_type3A_93 = arith.extui %lt3A_92 : i1 to i32
      %cond3A_94 = arith.constant 0 : i32
      %cond3A_95 = arith.cmpi ne, %convert_element_type3A_93, %cond3A_94 : i32
      scf.if %cond3A_95 {
        %mul3A_143 = arith.constant 16384 : i32
        %mul3A_144 = arith.muli %add3A_90, %mul3A_143 : i32
        %add3A_145 = arith.addi %mul3A_2, %mul3A_144 : i32
        %dma_start3A_146 = arith.constant 3 : i32
        %dma_start3A_147 = arith.constant 0 : i32
        %dma_start3A_148 = tpu.memref_slice %arg6[%dma_start3A_146, %dma_start3A_147] : memref<4x16384xi32, #tpu.memory_space<vmem>> -> memref<1x16384xi32, #tpu.memory_space<vmem>>
        %dma_start3A_149 = tpu.memref_squeeze %dma_start3A_148 : memref<1x16384xi32, #tpu.memory_space<vmem>> -> memref<16384xi32, #tpu.memory_space<vmem>>
        %dma_start3A_150 = tpu.memref_slice %arg3[%add3A_145] : memref<16777216xi32, #tpu.memory_space<hbm>> -> memref<16384xi32, #tpu.memory_space<hbm>>
        %dma_start3A_151 = arith.constant 0 : i32
        %dma_start3A_152 = tpu.memref_slice %arg6[%dma_start3A_146, %dma_start3A_151] : memref<4x16384xi32, #tpu.memory_space<vmem>> -> memref<1x16384xi32, #tpu.memory_space<vmem>>
        %dma_start3A_153 = tpu.memref_squeeze %dma_start3A_152 : memref<1x16384xi32, #tpu.memory_space<vmem>> -> memref<16384xi32, #tpu.memory_space<vmem>>
        %dma_start3A_154 = tpu.memref_slice %arg3[%add3A_145] : memref<16777216xi32, #tpu.memory_space<hbm>> -> memref<16384xi32, #tpu.memory_space<hbm>>
        tpu.enqueue_dma source(%dma_start3A_154 : memref<16384xi32, #tpu.memory_space<hbm>>) target(%dma_start3A_153 : memref<16384xi32, #tpu.memory_space<vmem>>) target_semaphore(%arg10 : memref<!tpu.dma_semaphore, #tpu.memory_space<semaphore_mem>>)
      } else {
      }
      %mul3A_96 = arith.constant 4 : i32
      %mul3A_97 = arith.muli %scan3A_51, %mul3A_96 : i32
      %add3A_98 = arith.constant 2 : i32
      %add3A_99 = arith.addi %mul3A_97, %add3A_98 : i32
      %mul3A_100 = arith.constant 16384 : i32
      %mul3A_101 = arith.muli %add3A_99, %mul3A_100 : i32
      %add3A_102 = arith.addi %mul3A_2, %mul3A_101 : i32
      %dma_wait3A_103 = arith.constant 2 : i32
      %dma_wait3A_104 = arith.constant 0 : i32
      %dma_wait3A_105 = tpu.memref_slice %arg6[%dma_wait3A_103, %dma_wait3A_104] : memref<4x16384xi32, #tpu.memory_space<vmem>> -> memref<1x16384xi32, #tpu.memory_space<vmem>>
      %dma_wait3A_106 = tpu.memref_squeeze %dma_wait3A_105 : memref<1x16384xi32, #tpu.memory_space<vmem>> -> memref<16384xi32, #tpu.memory_space<vmem>>
      %dma_wait3A_107 = tpu.memref_slice %arg3[%add3A_102] : memref<16777216xi32, #tpu.memory_space<hbm>> -> memref<16384xi32, #tpu.memory_space<hbm>>
      %dma_wait3A_108 = arith.constant 0 : i32
      %dma_wait3A_109 = tpu.memref_slice %arg6[%dma_wait3A_103, %dma_wait3A_108] : memref<4x16384xi32, #tpu.memory_space<vmem>> -> memref<1x16384xi32, #tpu.memory_space<vmem>>
      %dma_wait3A_110 = tpu.memref_squeeze %dma_wait3A_109 : memref<1x16384xi32, #tpu.memory_space<vmem>> -> memref<16384xi32, #tpu.memory_space<vmem>>
      %dma_wait3A_111 = tpu.memref_slice %arg3[%add3A_102] : memref<16777216xi32, #tpu.memory_space<hbm>> -> memref<16384xi32, #tpu.memory_space<hbm>>
      tpu.wait_dma2 semaphore(%arg9 : memref<!tpu.dma_semaphore, #tpu.memory_space<semaphore_mem>>) src(%dma_wait3A_111 : memref<16384xi32, #tpu.memory_space<hbm>>) dst(%dma_wait3A_110 : memref<16384xi32, #tpu.memory_space<vmem>>)
      %add3A_112 = arith.constant 2 : i32
      %add3A_113 = arith.addi %add3A_99, %add3A_112 : i32
      %lt3A_114 = arith.constant 32 : i32
      %lt3A_115 = arith.cmpi slt, %add3A_113, %lt3A_114 : i32
      %convert_element_type3A_116 = arith.extui %lt3A_115 : i1 to i32
      %cond3A_117 = arith.constant 0 : i32
      %cond3A_118 = arith.cmpi ne, %convert_element_type3A_116, %cond3A_117 : i32
      scf.if %cond3A_118 {
        %mul3A_143 = arith.constant 16384 : i32
        %mul3A_144 = arith.muli %add3A_113, %mul3A_143 : i32
        %add3A_145 = arith.addi %mul3A_2, %mul3A_144 : i32
        %dma_start3A_146 = arith.constant 0 : i32
        %dma_start3A_147 = arith.constant 0 : i32
        %dma_start3A_148 = tpu.memref_slice %arg6[%dma_start3A_146, %dma_start3A_147] : memref<4x16384xi32, #tpu.memory_space<vmem>> -> memref<1x16384xi32, #tpu.memory_space<vmem>>
        %dma_start3A_149 = tpu.memref_squeeze %dma_start3A_148 : memref<1x16384xi32, #tpu.memory_space<vmem>> -> memref<16384xi32, #tpu.memory_space<vmem>>
        %dma_start3A_150 = tpu.memref_slice %arg3[%add3A_145] : memref<16777216xi32, #tpu.memory_space<hbm>> -> memref<16384xi32, #tpu.memory_space<hbm>>
        %dma_start3A_151 = arith.constant 0 : i32
        %dma_start3A_152 = tpu.memref_slice %arg6[%dma_start3A_146, %dma_start3A_151] : memref<4x16384xi32, #tpu.memory_space<vmem>> -> memref<1x16384xi32, #tpu.memory_space<vmem>>
        %dma_start3A_153 = tpu.memref_squeeze %dma_start3A_152 : memref<1x16384xi32, #tpu.memory_space<vmem>> -> memref<16384xi32, #tpu.memory_space<vmem>>
        %dma_start3A_154 = tpu.memref_slice %arg3[%add3A_145] : memref<16777216xi32, #tpu.memory_space<hbm>> -> memref<16384xi32, #tpu.memory_space<hbm>>
        tpu.enqueue_dma source(%dma_start3A_154 : memref<16384xi32, #tpu.memory_space<hbm>>) target(%dma_start3A_153 : memref<16384xi32, #tpu.memory_space<vmem>>) target_semaphore(%arg7 : memref<!tpu.dma_semaphore, #tpu.memory_space<semaphore_mem>>)
      } else {
      }
      %mul3A_119 = arith.constant 4 : i32
      %mul3A_120 = arith.muli %scan3A_51, %mul3A_119 : i32
      %add3A_121 = arith.constant 3 : i32
      %add3A_122 = arith.addi %mul3A_120, %add3A_121 : i32
      %mul3A_123 = arith.constant 16384 : i32
      %mul3A_124 = arith.muli %add3A_122, %mul3A_123 : i32
      %add3A_125 = arith.addi %mul3A_2, %mul3A_124 : i32
      %dma_wait3A_126 = arith.constant 3 : i32
      %dma_wait3A_127 = arith.constant 0 : i32
      %dma_wait3A_128 = tpu.memref_slice %arg6[%dma_wait3A_126, %dma_wait3A_127] : memref<4x16384xi32, #tpu.memory_space<vmem>> -> memref<1x16384xi32, #tpu.memory_space<vmem>>
      %dma_wait3A_129 = tpu.memref_squeeze %dma_wait3A_128 : memref<1x16384xi32, #tpu.memory_space<vmem>> -> memref<16384xi32, #tpu.memory_space<vmem>>
      %dma_wait3A_130 = tpu.memref_slice %arg3[%add3A_125] : memref<16777216xi32, #tpu.memory_space<hbm>> -> memref<16384xi32, #tpu.memory_space<hbm>>
      %dma_wait3A_131 = arith.constant 0 : i32
      %dma_wait3A_132 = tpu.memref_slice %arg6[%dma_wait3A_126, %dma_wait3A_131] : memref<4x16384xi32, #tpu.memory_space<vmem>> -> memref<1x16384xi32, #tpu.memory_space<vmem>>
      %dma_wait3A_133 = tpu.memref_squeeze %dma_wait3A_132 : memref<1x16384xi32, #tpu.memory_space<vmem>> -> memref<16384xi32, #tpu.memory_space<vmem>>
      %dma_wait3A_134 = tpu.memref_slice %arg3[%add3A_125] : memref<16777216xi32, #tpu.memory_space<hbm>> -> memref<16384xi32, #tpu.memory_space<hbm>>
      tpu.wait_dma2 semaphore(%arg10 : memref<!tpu.dma_semaphore, #tpu.memory_space<semaphore_mem>>) src(%dma_wait3A_134 : memref<16384xi32, #tpu.memory_space<hbm>>) dst(%dma_wait3A_133 : memref<16384xi32, #tpu.memory_space<vmem>>)
      %add3A_135 = arith.constant 2 : i32
      %add3A_136 = arith.addi %add3A_122, %add3A_135 : i32
      %lt3A_137 = arith.constant 32 : i32
      %lt3A_138 = arith.cmpi slt, %add3A_136, %lt3A_137 : i32
      %convert_element_type3A_139 = arith.extui %lt3A_138 : i1 to i32
      %cond3A_140 = arith.constant 0 : i32
      %cond3A_141 = arith.cmpi ne, %convert_element_type3A_139, %cond3A_140 : i32
      scf.if %cond3A_141 {
        %mul3A_143 = arith.constant 16384 : i32
        %mul3A_144 = arith.muli %add3A_136, %mul3A_143 : i32
        %add3A_145 = arith.addi %mul3A_2, %mul3A_144 : i32
        %dma_start3A_146 = arith.constant 1 : i32
        %dma_start3A_147 = arith.constant 0 : i32
        %dma_start3A_148 = tpu.memref_slice %arg6[%dma_start3A_146, %dma_start3A_147] : memref<4x16384xi32, #tpu.memory_space<vmem>> -> memref<1x16384xi32, #tpu.memory_space<vmem>>
        %dma_start3A_149 = tpu.memref_squeeze %dma_start3A_148 : memref<1x16384xi32, #tpu.memory_space<vmem>> -> memref<16384xi32, #tpu.memory_space<vmem>>
        %dma_start3A_150 = tpu.memref_slice %arg3[%add3A_145] : memref<16777216xi32, #tpu.memory_space<hbm>> -> memref<16384xi32, #tpu.memory_space<hbm>>
        %dma_start3A_151 = arith.constant 0 : i32
        %dma_start3A_152 = tpu.memref_slice %arg6[%dma_start3A_146, %dma_start3A_151] : memref<4x16384xi32, #tpu.memory_space<vmem>> -> memref<1x16384xi32, #tpu.memory_space<vmem>>
        %dma_start3A_153 = tpu.memref_squeeze %dma_start3A_152 : memref<1x16384xi32, #tpu.memory_space<vmem>> -> memref<16384xi32, #tpu.memory_space<vmem>>
        %dma_start3A_154 = tpu.memref_slice %arg3[%add3A_145] : memref<16777216xi32, #tpu.memory_space<hbm>> -> memref<16384xi32, #tpu.memory_space<hbm>>
        tpu.enqueue_dma source(%dma_start3A_154 : memref<16384xi32, #tpu.memory_space<hbm>>) target(%dma_start3A_153 : memref<16384xi32, #tpu.memory_space<vmem>>) target_semaphore(%arg8 : memref<!tpu.dma_semaphore, #tpu.memory_space<semaphore_mem>>)
      } else {
      }
      %scan3A_142 = arith.constant 0 : i32
      scf.yield %scan3A_142 : i32
    }
    %scan3A_29 = arith.constant 8 : i32
    %add3A_30 = arith.constant 0 : i32
    %add3A_31 = arith.addi %mul3A_2, %add3A_30 : i32
    %dma_start3A_32 = arith.constant 0 : i32
    %dma_start3A_33 = arith.constant 0 : i32
    %dma_start3A_34 = tpu.memref_slice %arg6[%dma_start3A_32, %dma_start3A_33] : memref<4x16384xi32, #tpu.memory_space<vmem>> -> memref<1x16384xi32, #tpu.memory_space<vmem>>
    %dma_start3A_35 = tpu.memref_squeeze %dma_start3A_34 : memref<1x16384xi32, #tpu.memory_space<vmem>> -> memref<16384xi32, #tpu.memory_space<vmem>>
    %dma_start3A_36 = tpu.memref_slice %arg4[%add3A_31] : memref<16777216xi32, #tpu.memory_space<hbm>> -> memref<16384xi32, #tpu.memory_space<hbm>>
    %dma_start3A_37 = tpu.memref_slice %arg4[%add3A_31] : memref<16777216xi32, #tpu.memory_space<hbm>> -> memref<16384xi32, #tpu.memory_space<hbm>>
    %dma_start3A_38 = arith.constant 0 : i32
    %dma_start3A_39 = tpu.memref_slice %arg6[%dma_start3A_32, %dma_start3A_38] : memref<4x16384xi32, #tpu.memory_space<vmem>> -> memref<1x16384xi32, #tpu.memory_space<vmem>>
    %dma_start3A_40 = tpu.memref_squeeze %dma_start3A_39 : memref<1x16384xi32, #tpu.memory_space<vmem>> -> memref<16384xi32, #tpu.memory_space<vmem>>
    tpu.enqueue_dma source(%dma_start3A_40 : memref<16384xi32, #tpu.memory_space<vmem>>) target(%dma_start3A_37 : memref<16384xi32, #tpu.memory_space<hbm>>) target_semaphore(%arg11 : memref<!tpu.dma_semaphore, #tpu.memory_space<semaphore_mem>>)
    %add3A_41 = arith.constant 0 : i32
    %add3A_42 = arith.addi %mul3A_2, %add3A_41 : i32
    %dma_wait3A = arith.constant 0 : i32
    %dma_wait3A_43 = arith.constant 0 : i32
    %dma_wait3A_44 = tpu.memref_slice %arg6[%dma_wait3A, %dma_wait3A_43] : memref<4x16384xi32, #tpu.memory_space<vmem>> -> memref<1x16384xi32, #tpu.memory_space<vmem>>
    %dma_wait3A_45 = tpu.memref_squeeze %dma_wait3A_44 : memref<1x16384xi32, #tpu.memory_space<vmem>> -> memref<16384xi32, #tpu.memory_space<vmem>>
    %dma_wait3A_46 = tpu.memref_slice %arg4[%add3A_42] : memref<16777216xi32, #tpu.memory_space<hbm>> -> memref<16384xi32, #tpu.memory_space<hbm>>
    %dma_wait3A_47 = tpu.memref_slice %arg4[%add3A_42] : memref<16777216xi32, #tpu.memory_space<hbm>> -> memref<16384xi32, #tpu.memory_space<hbm>>
    %dma_wait3A_48 = arith.constant 0 : i32
    %dma_wait3A_49 = tpu.memref_slice %arg6[%dma_wait3A, %dma_wait3A_48] : memref<4x16384xi32, #tpu.memory_space<vmem>> -> memref<1x16384xi32, #tpu.memory_space<vmem>>
    %dma_wait3A_50 = tpu.memref_squeeze %dma_wait3A_49 : memref<1x16384xi32, #tpu.memory_space<vmem>> -> memref<16384xi32, #tpu.memory_space<vmem>>
    tpu.wait_dma2 semaphore(%arg11 : memref<!tpu.dma_semaphore, #tpu.memory_space<semaphore_mem>>) src(%dma_wait3A_50 : memref<16384xi32, #tpu.memory_space<vmem>>) dst(%dma_wait3A_47 : memref<16384xi32, #tpu.memory_space<hbm>>)
    return
  }
}

</mosaic_0001>

<sc_bundles>
// kernel: kernel.3.cloned.1.call-start
scs
__scs_entry_jumppad:
0x0: {  	(pc) =	sbr.rel $0x88, $3  }
0x1: {  	(tag) =	ssettag $0x0;
	lr =	simm.s32 $0x1  }
0x2: {  	[smem:$0x3F9F] =	sst lr;
	_ =	strace $0xD0000000  }
0x3: {  	_ = 	snop  }
0x4: {  	_ = 	snop  }
0x5: {  	_ = 	snop  }
0x6: {  	_ = 	snop  }
0x7: {  	_ = 	snop  }
__scs_overlays_trampoline_lowered:
0x8: {  	[smem:$0x3FAE] =	sst s0  }
0x9: {  	[smem:$0x3FAF] =	sst s1  }
0xa: {  	[smem:$0x3FB0] =	sst s2  }
0xb: {  	[smem:$0x3FB1] =	sst s3  }
0xc: {  	[smem:$0x3FB2] =	sst s4  }
0xd: {  	[smem:$0x3FB3] =	sst s5  }
0xe: {  	[smem:$0x3FB4] =	sst s6  }
0xf: {  	[smem:$0x3FB5] =	sst s7  }
0x10: {  	[smem:$0x3FB6] =	sst s8  }
0x11: {  	[smem:$0x3FB7] =	sst s9;
	s0 =	simm.s32 @!p0 $0x0  }
0x12: {  	s1 =	sld [smem:$0x3F9D];
	s0 =	simm.s32 @p0 $0x1  }
0x13: {  	[smem:$0x3FB8] =	sst s0;
	s0 =	simm.s32 @!p1 $0x0  }
0x14: {  	s2 =	sld [smem:$0x3F9C];
	s0 =	simm.s32 @p1 $0x1  }
0x15: {  	[smem:$0x3FB9] =	sst s0;
	s0 =	simm.s32 @!p2 $0x0  }
0x16: {  	s3 =	sld [smem:$0x3FDB];
	s0 =	simm.s32 @p2 $0x1  }
0x17: {  	s4 =	simm.s32 $0x1BF5;
	[smem:$0x3FBB] =	sst s0  }
0x18: {  	s0 =	sld [smem:$0x3F9E];
	_ =	swait.ge [sflag:s4], $0x0  }
0x19: {  	s7 =	sld [smem:$0x3F9F]  }
0x1a: {  	s8 =	sadd.s32 $0xFFFFE003, lr  }
0x1b: {  	s9 =	sadd.s32 $0xFFFFFEF7, lr;
	s5 =	simm.s32 $0xFFFFFFFF;
	p2 =	slt.u32 s8, $0xFFFFF086  }
0x1c: {  	p1 =	slt.u32 s9, $0xF7A;
	s5 =	simm.s32 @!p2 $0x0  }
0x1d: {  	s5 =	simm.s32 @p1 $0x1;
	p0 =	seq.s32 s7, s2  }
0x1e: {  	s7 =	smul.u32 @!p0 $0xF7A, s2;
	p2 =	seq.s32 @!p0 s5, $0x0  }
0x1f: {  	s9 =	smul.u32 $0xF7A, s1;
	s8 =	simm.s32 @!p0 $0x1BF5;
	p2 =	por !p2, p0  }
0x20: {  	[sflag:s8] =	ssyncset.s32 @!p0 $0xFFFFF086;
	s6 =	sadd.s32 @!p0 s3, s7;
	s7 =	simm.s32 @!p0 $0x108  }
0x21: {  	s3 =	sadd.s32 s3, s9;
	s6 =	sadd.s32 @!p0 $0x88, s6;
	s7 =	simm.s32 @p2 $0x1082  }
0x22: {  	[simem:s7], [sflag:s8] =	dma.local @!p0 [hbm:s6], $0xF7A  }
0x23: {  	s9 =	sor.u32 $0xD0000000, s2;
	s6 =	simm.s32 $0x108;
	_ =	swait.ge @!p0 [sflag:s8], $0x0  }
0x24: {  	s3 =	sadd.s32 $0x88, s3;
	s6 =	simm.s32 @!p1 $0x1082;
	[sflag:s4] =	ssyncset.s32 $0xFFFFF086  }
0x25: {  	[simem:s6], [sflag:s4] =	dma.local [hbm:s3], $0xF7A  }
0x26: {  	[smem:$0x3F9F] =	sst s1;
	(tag) =	ssettag s2;
	_ =	strace s9  }
0x27: {  	s1 =	sld [smem:$0x3FAF]  }
0x28: {  	s2 =	sld [smem:$0x3FB0]  }
0x29: {  	s4 =	sld [smem:$0x3FB2]  }
0x2a: {  	p0 =	seq.s32 s5, $0x0;
	s5 =	sld [smem:$0x3FB3]  }
0x2b: {  	s6 =	sld [smem:$0x3FB4]  }
0x2c: {  	s7 =	sld [smem:$0x3FB5]  }
0x2d: {  	s3 =	simm.s32 $0x108;
	s8 =	sld [smem:$0x3FB6]  }
0x2e: {  	s3 =	simm.s32 @!p0 $0x1082;
	s9 =	sld [smem:$0x3FB7]  }
0x2f: {  	lr =	sadd.s32 s0, s3;
	s0 =	sld [smem:$0x3FAE]  }
0x30: {  	s3 =	sld [smem:$0x3FB1]  }
0x31: {  	[smem:$0x3FBA] =	sst s10  }
0x32: {  	s10 =	sld [smem:$0x3FB8];
	_ =	sdelay $0x3  }
0x33: {  	p0 =	seq.s32 s10, $0x1;
	s10 =	sld [smem:$0x3FBA];
	_ =	sdelay $0x3  }
0x34: {  	[smem:$0x3FBA] =	sst s10  }
0x35: {  	s10 =	sld [smem:$0x3FB9];
	_ =	sdelay $0x3  }
0x36: {  	p1 =	seq.s32 s10, $0x1;
	s10 =	sld [smem:$0x3FBA];
	_ =	sdelay $0x3  }
0x37: {  	[smem:$0x3FBA] =	sst s10  }
0x38: {  	s10 =	sld [smem:$0x3FBB]  }
0x39: {  	_ = 	snop;
	(pc) =	sbr.ind lr, $3  }
0x3a: {  	_ = 	snop  }
0x3b: {  	_ = 	snop  }
0x3c: {  	p2 =	seq.s32 s10, $0x1;
	s10 =	sld [smem:$0x3FBA]  }
0x3d: {  	_ =	shalt  }
0x3e: {  	_ =	shalt  }
0x3f: {  	_ =	shalt  }
0x40: {  	_ =	shalt  }
0x41: {  	_ =	shalt  }
0x42: {  	_ =	shalt  }
0x43: {  	_ =	shalt  }
0x44: {  	_ =	shalt  }
0x45: {  	_ =	shalt  }
0x46: {  	_ =	shalt  }
0x47: {  	_ =	shalt  }
0x48: {  	_ =	shalt  }
0x49: {  	_ =	shalt  }
0x4a: {  	_ =	shalt  }
0x4b: {  	_ =	shalt  }
0x4c: {  	_ =	shalt  }
0x4d: {  	_ =	shalt  }
0x4e: {  	_ =	shalt  }
0x4f: {  	_ =	shalt  }
0x50: {  	_ =	shalt  }
0x51: {  	_ =	shalt  }
0x52: {  	_ =	shalt  }
0x53: {  	_ =	shalt  }
0x54: {  	_ =	shalt  }
0x55: {  	_ =	shalt  }
0x56: {  	_ =	shalt  }
0x57: {  	_ =	shalt  }
0x58: {  	_ =	shalt  }
0x59: {  	_ =	shalt  }
0x5a: {  	_ =	shalt  }
0x5b: {  	_ =	shalt  }
0x5c: {  	_ =	shalt  }
0x5d: {  	_ =	shalt  }
0x5e: {  	_ =	shalt  }
0x5f: {  	_ =	shalt  }
0x60: {  	_ =	shalt  }
0x61: {  	_ =	shalt  }
0x62: {  	_ =	shalt  }
0x63: {  	_ =	shalt  }
0x64: {  	_ =	shalt  }
0x65: {  	_ =	shalt  }
0x66: {  	_ =	shalt  }
0x67: {  	_ =	shalt  }
0x68: {  	_ =	shalt  }
0x69: {  	_ =	shalt  }
0x6a: {  	_ =	shalt  }
0x6b: {  	_ =	shalt  }
0x6c: {  	_ =	shalt  }
0x6d: {  	_ =	shalt  }
0x6e: {  	_ =	shalt  }
0x6f: {  	_ =	shalt  }
0x70: {  	_ =	shalt  }
0x71: {  	_ =	shalt  }
0x72: {  	_ =	shalt  }
0x73: {  	_ =	shalt  }
0x74: {  	_ =	shalt  }
0x75: {  	_ =	shalt  }
0x76: {  	_ =	shalt  }
0x77: {  	_ =	shalt  }
0x78: {  	_ =	shalt  }
0x79: {  	_ =	shalt  }
0x7a: {  	_ =	shalt  }
0x7b: {  	_ =	shalt  }
0x7c: {  	_ =	shalt  }
0x7d: {  	_ =	shalt  }
0x7e: {  	_ =	shalt  }
0x7f: {  	_ =	shalt  }
0x80: {  	_ =	shalt  }
0x81: {  	_ =	shalt  }
0x82: {  	_ =	shalt  }
0x83: {  	_ =	shalt  }
0x84: {  	_ =	shalt  }
0x85: {  	_ =	shalt  }
0x86: {  	_ =	shalt  }
0x87: {  	_ =	shalt  }
.Lfunc_end0:
.L_simem_size_0:
called_computation.1_lowered:
.L_overlay_start_0:
0x88: {  	s2 =	sld [smem:$0x3FD9]  }
0x89: {  	s3 =	sld [smem:$0x3FFE];
	_ =	sdelay $0x1  }
0x8a: {  	s1 =	srdreg.scid  }
0x8b: {  	s0 =	sand.u32 $0x1, s1  }
0x8c: {  	s17 =	sshll.u32 s0, $0xA;
	s2 =	sadd.s32 s3, s2  }
0x8d: {  	s2 =	sadd.s32 s2, s17  }
0x8e: {  	[smem:$0x3FC6] =	sst s2  }
0x8f: {  	_ = 	snop  }
0x90: {  	s2 =	sld [smem:$0x3FC9]  }
0x91: {  	s18 =	sld [smem:$0x3FD0];
	(tm) =	ssettm $0x1  }
0x92: {  	s4 =	sld [smem:$0x3FFB];
	_ =	sdelay $0x3  }
0x93: {  	_ =	strace s4  }
0x94: {  	s4 =	sld [smem:$0x3FFC];
	_ =	sdelay $0x3  }
0x95: {  	_ =	strace s4  }
0x96: {  	s4 =	sld [smem:$0x3FFD];
	_ =	sdelay $0x3  }
0x97: {  	_ =	strace s4  }
0x98: {  	_ =	strace $0x8FFFFFFF  }
0x99: {  	s19 =	sld [smem:$0x3FDB];
	_ =	sdelay $0x1  }
0x9a: {  	s5 =	simm.s32 $_scs_section_size  }
0x9b: {  	s6 =	simm.s32 $_size__tile_overlayer_lowered;
	s7 =	simm.s32 $_tile_overlayer_lowered  }
0x9c: {  	s22 =	simm.s32 $0x1BFF;
	s21 =	sshll.u32 s7, $0x1;
	s4 =	sadd.s32 s5, s19  }
0x9d: {  	s8 =	simm.s32 $0x0;
	s20 =	sshll.u32 s6, $0x1;
	s6 =	sadd.s32 s21, s4  }
0x9e: {  	[timem:s8], [sflag:s22] =	dma.local [hbm:s6], s20  }
0x9f: {  	_ =	swait.ge [sflag:s22], s20  }
0xa0: {  	s5 =	ssub.s32 $0x0, s20;
	[sflag:s22] =	ssyncset.done $0x0  }
0xa1: {  	[sflag:s22] =	ssyncadd.s32 s5;
	_ =	sdelay $0x1  }
0xa2: {  	s23 =	simm.s32 $0x1B8B  }
0xa3: {  	_ =	swait.ge [sflag:s23], $0x1  }
0xa4: {  	[sflag:s23] =	ssyncset.done $0x0  }
0xa5: {  	s25 =	simm.s32 $0x1B8E;
	s24 =	sld [smem:$0x3FFE];
	[sflag:s23] =	ssyncadd.s32 $0xFFFFFFFF  }
0xa6: {  	s26 =	simm.s32 $execute0_lowered;
	[smem:$0x3FD2] =	sst s25  }
0xa7: {  	s6 =	sshll.u32 s26, $0x1;
	_ =	strace $0x80000049;
	[dreg:$0x1] =	wrdreg $0xFFFFFFFF  }
0xa8: {  	s28 =	simm.s32 $_size_execute0_lowered;
	s4 =	sadd.s32 s4, s6;
	[dreg:$0x0] =	wrdreg $0x0  }
0xa9: {  	s6 =	sshll.u32 s28, $0x1;
	[dreg:$0x2] =	wrdreg s4  }
0xaa: {  	[dreg:$0x3] =	wrdreg s6  }
0xab: {  	[dreg:$0x4] =	wrdreg $0xC0  }
0xac: {  	_ =	task [dreg:s8], $0x5FFFF  }
0xad: {  	[dreg:$0x1] =	wrdreg $0xFFFFFFFF  }
0xae: {  	[dreg:$0x0] =	wrdreg $0x60  }
0xaf: {  	[dreg:$0x2] =	wrdreg s2  }
0xb0: {  	[dreg:$0x3] =	wrdreg s24  }
0xb1: {  	[dreg:$0x4] =	wrdreg s18  }
0xb2: {  	[dreg:$0x5] =	wrdreg $0x9  }
0xb3: {  	_ =	task.clear_ibuf [dreg:s8], $0x6FFFF;
	_ =	strace $0x90000049  }
0xb4: {  	s29 =	simm.s32 $0x9;
	_ =	strace $0x8000004B  }
0xb5: {  	_ =	swait.ge [sflag:s29], $0x1  }
0xb6: {  	[sflag:s29] =	ssyncadd.s32 $0xFFFFFFFF  }
0xb7: {  	_ =	strace $0x9000004B  }
0xb8: {  	_ =	sfence  }
0xb9: {  	s30 =	sld [smem:$0x0];
	_ =	sdelay $0x2  }
0xba: {  	s31 =	sshll.u32 s1, $0xD;
	s1 =	sshrl.u32 s1, $0x2  }
0xbb: {  	s3 =	sand.u32 $0x4000, s31;
	s1 =	sadd.s32 s1, s30  }
0xbc: {  	s0 =	sor.u32 s3, s0;
	s1 =	sshll.u32 s1, $0x11  }
0xbd: {  	s0 =	sor.u32 s1, s0  }
0xbe: {  	s0 =	sadd.s32 $0x8F2B, s0  }
0xbf: {  	[sflag:s0] =	ssyncadd.remote.s32 $0x1  }
0xc0: {  	_ =	sfence.sel $0xFFFF  }
0xc1: {  	[dreg:$0x0] =	wrdreg $0xFFFFFFFF;
	(pc) =	sbr.abs _section_cstart, $3  }
0xc2: {  	[dreg:$0x1] =	wrdreg $0xFFFFFFFF  }
0xc3: {  	_ =	task.clear_ibuf [dreg:s8], $0x2FFFF;
	_ =	strace $0x9FFFFFFF  }
0xc4: {  	(tm) =	ssettm $0x7FFFFFFF  }
0xc5: {  	_ =	shalt  }
tec
execute0_lowered:
.L_overlay_start_1:
0x0: {  	(tag) =	ssettag $0x1  }
0x1: {  	s1 =	rddreg [dreg:$0x0]  }
0x2: {  	s5 =	rddreg [dreg:$0x1]  }
0x3: {  	s10 =	rddreg [dreg:$0x2];
	s3 =	srdreg.scid  }
0x4: {  	s0 =	rddreg [dreg:$0x3];
	s2 =	stileid.u32;
	s13 =	simm.s32 $0x1  }
0x5: {  	s14 =	simm.s32 $0x2;
	s15 =	simm.s32 $0x3;
	s16 =	simm.s32 $0x4  }
0x6: {  	s17 =	simm.s32 $0x5;
	s18 =	simm.s32 $0x0;
	s4 =	sand.u32 $0x1, s3  }
0x7: {  	s3 =	simm.s32 $0x0;
	s6 =	sshll.u32 s2, $0x14;
	s5 =	sadd.s32 $0x800, s5  }
0x8: {  	s7 =	sshll.u32 s4, $0x13;
	[smem:$0x7FF] =	sst s3;
	s8 =	ssub.s32 $0x2, s4  }
0x9: {  	s4 =	sor.u32 s7, s6;
	s31 =	sshrl.u32 s8, $0x1;
	_ =	strace $0x8000004A  }
0xa: {  	s11 =	sshrl.u32 s4, $0x3;
	s12 =	ssub.s32 s8, s31;
	s8 =	sor.u32 $0x10000, s4  }
0xb: {  	s9 =	sor.u32 $0x14000, s4;
	s6 =	sadd.s32 s5, s11;
	s10 =	sadd.s32 s10, s11  }
0xc: {  	s11 =	smax.u32 s12, $0x1;
	s12 =	simm.s32 $0x6;
	s7 =	sadd.s32 $0x800, s6  }
.LBB2_1:
0xd: {  	[tilespmem:s3], [sflag:$0x6] =	stream.linear.gather [hbm4b:s1+s3], $0x100, $0x38;
	[tilespmem:$0x10100] =	vst v63  }
0xe: {  	_ =	swait.ge [sflag:s12], $0x100  }
0xf: {  	s19 =	simm.s32 $0x100;
	s20 =	simm.s32 $0x10;
	[sflag:s12] =	ssyncset.done $0x0  }
0x10: {  	s22 =	sadd.s32 $0x0, s6;
	s21 =	simm.s32 $0x300;
	[sflag:s12] =	ssyncadd.s32 $0xFFFFFF00  }
.LBB2_2:
0x11: {  	[tilespmem:s19], [sflag:$0x1] =	stream.linear.gather [hbm4b:s22+s3], $0x80, $0x38;
	[tilespmem:$0x10100] =	vst v63  }
0x12: {  	s22 =	smov.u32 s20;
	s19 =	smov.u32 s21;
	p0 =	sne.s32 s20, $0x7F0  }
.Ltmp0:
0x13: {  	s20 =	sadd.s32 $0x10, s20;
	(pc) =	sbr.rel @p0 .LBB2_2-.Ltmp0, $2  }
0x14: {  	_ =	sdelay $0x2  }
0x15: {  	s21 =	sadd.s32 $0x200, s21;
	s22 =	sadd.s32 s22, s6  }
0x16: {  	[tilespmem:s19], [sflag:$0x1] =	stream.linear.gather [hbm4b:s22+s3], $0x80, $0x38;
	[tilespmem:$0x10100] =	vst v63  }
0x17: {  	s19 =	simm.s32 $0x0;
	s20 =	simm.s32 $0x180  }
0x18: {  	s21 =	simm.s32 $0x10;
	s23 =	sadd.s32 $0x0, s7;
	s22 =	simm.s32 $0x380  }
.LBB2_4:
0x19: {  	[tilespmem:s20], [sflag:$0x2] =	stream.linear.gather [hbm4b:s23+s19], $0x80, $0x38;
	[tilespmem:$0x10100] =	vst v63  }
0x1a: {  	s23 =	smov.u32 s21;
	s20 =	smov.u32 s22;
	p0 =	sne.s32 s21, $0x7F0  }
.Ltmp1:
0x1b: {  	s21 =	sadd.s32 $0x10, s21;
	(pc) =	sbr.rel @p0 .LBB2_4-.Ltmp1, $2  }
0x1c: {  	_ =	sdelay $0x2  }
0x1d: {  	s22 =	sadd.s32 $0x200, s22;
	s23 =	sadd.s32 s23, s7  }
0x1e: {  	[tilespmem:s20], [sflag:$0x2] =	stream.linear.gather [hbm4b:s23+s19], $0x80, $0x38;
	[tilespmem:$0x10100] =	vst v63  }
.LBB2_6:
0x1f: {  	s20 =	sshll.u32 s19, $0x10  }
0x20: {  	s21 =	sor.u32 s20, s4  }
0x21: {  	s21 =	sshrl.u32 s21, $0x3  }
0x22: {  	_ =	swait.ge [sflag:s13], $0x4000;
	s23 =	simm.s32 $0x200;
	s21 =	sadd.s32 s21, s5  }
0x23: {  	s24 =	simm.s32 $0x10;
	[sflag:s13] =	ssyncset.done $0x0;
	s22 =	sadd.s32 $0x1000, s21  }
0x24: {  	s25 =	simm.s32 $0x400;
	[sflag:s13] =	ssyncadd.s32 $0xFFFFC000;
	s26 =	sadd.s32 $0x0, s22  }
.LBB2_7:
0x25: {  	[tilespmem:s23], [sflag:$0x3] =	stream.linear.gather [hbm4b:s26+s3], $0x80, $0x38;
	[tilespmem:$0x10100] =	vst v63  }
0x26: {  	s26 =	smov.u32 s24;
	s23 =	smov.u32 s25;
	p0 =	sne.s32 s24, $0x7F0  }
.Ltmp2:
0x27: {  	s24 =	sadd.s32 $0x10, s24;
	(pc) =	sbr.rel @p0 .LBB2_7-.Ltmp2, $2  }
0x28: {  	_ =	sdelay $0x2  }
0x29: {  	s25 =	sadd.s32 $0x200, s25;
	s26 =	sadd.s32 s26, s22  }
0x2a: {  	[tilespmem:s23], [sflag:$0x3] =	stream.linear.gather [hbm4b:s26+s3], $0x80, $0x38;
	[tilespmem:$0x10100] =	vst v63  }
0x2b: {  	s21 =	sadd.s32 $0x1800, s21;
	_ =	swait.ge [sflag:s14], $0x4000  }
0x2c: {  	s22 =	simm.s32 $0x280;
	s23 =	simm.s32 $0x10;
	[sflag:s14] =	ssyncset.done $0x0  }
0x2d: {  	s24 =	simm.s32 $0x480;
	s25 =	sadd.s32 $0x0, s21;
	[sflag:s14] =	ssyncadd.s32 $0xFFFFC000  }
.LBB2_9:
0x2e: {  	[tilespmem:s22], [sflag:$0x4] =	stream.linear.gather [hbm4b:s25+s3], $0x80, $0x38;
	[tilespmem:$0x10100] =	vst v63  }
0x2f: {  	s25 =	smov.u32 s23;
	s22 =	smov.u32 s24;
	p0 =	sne.s32 s23, $0x7F0  }
.Ltmp3:
0x30: {  	s23 =	sadd.s32 $0x10, s23;
	(pc) =	sbr.rel @p0 .LBB2_9-.Ltmp3, $2  }
0x31: {  	_ =	sdelay $0x2  }
0x32: {  	s24 =	sadd.s32 $0x200, s24;
	s25 =	sadd.s32 s25, s21  }
0x33: {  	p0 =	seq.s32 s19, $0x7  }
.Ltmp4:
0x34: {  	_ = 	snop;
	(pc) =	sbr.rel @p0 .LBB2_16-.Ltmp4, $4  }
0x35: {  	[tilespmem:s22], [sflag:$0x4] =	stream.linear.gather [hbm4b:s25+s3], $0x80, $0x38;
	[tilespmem:$0x10100] =	vst v63  }
0x36: {  	_ =	swait.ge [sflag:s15], $0x4000  }
0x37: {  	[sflag:s15] =	ssyncset.done $0x0  }
0x38: {  	[sflag:s15] =	ssyncadd.s32 $0xFFFFC000  }
0x39: {  	s21 =	sadd.s32 s20, s8  }
0x3a: {  	s21 =	sshrl.u32 s21, $0x3  }
0x3b: {  	s22 =	simm.s32 $0x100;
	s21 =	sadd.s32 s5, s21  }
0x3c: {  	s23 =	simm.s32 $0x10;
	s24 =	simm.s32 $0x300;
	s25 =	sadd.s32 $0x0, s21  }
.LBB2_12:
0x3d: {  	[tilespmem:s22], [sflag:$0x1] =	stream.linear.gather [hbm4b:s25+s3], $0x80, $0x38;
	[tilespmem:$0x10100] =	vst v63  }
0x3e: {  	s25 =	smov.u32 s23;
	s22 =	smov.u32 s24;
	p0 =	sne.s32 s23, $0x7F0  }
.Ltmp5:
0x3f: {  	s23 =	sadd.s32 $0x10, s23;
	(pc) =	sbr.rel @p0 .LBB2_12-.Ltmp5, $2  }
0x40: {  	_ =	sdelay $0x2  }
0x41: {  	s24 =	sadd.s32 $0x200, s24;
	s25 =	sadd.s32 s25, s21  }
0x42: {  	[tilespmem:s22], [sflag:$0x1] =	stream.linear.gather [hbm4b:s25+s3], $0x80, $0x38;
	[tilespmem:$0x10100] =	vst v63  }
0x43: {  	s20 =	sadd.s32 s20, s9  }
0x44: {  	s21 =	simm.s32 $0x180;
	_ =	swait.ge [sflag:s16], $0x4000;
	s20 =	sshrl.u32 s20, $0x3  }
0x45: {  	s22 =	simm.s32 $0x10;
	[sflag:s16] =	ssyncset.done $0x0;
	s20 =	sadd.s32 s5, s20  }
0x46: {  	s23 =	simm.s32 $0x380;
	[sflag:s16] =	ssyncadd.s32 $0xFFFFC000;
	s24 =	sadd.s32 $0x0, s20  }
.LBB2_14:
0x47: {  	[tilespmem:s21], [sflag:$0x2] =	stream.linear.gather [hbm4b:s24+s3], $0x80, $0x38;
	[tilespmem:$0x10100] =	vst v63  }
0x48: {  	s24 =	smov.u32 s22;
	s21 =	smov.u32 s23;
	p0 =	sne.s32 s22, $0x7F0  }
.Ltmp6:
0x49: {  	s22 =	sadd.s32 $0x10, s22;
	(pc) =	sbr.rel @p0 .LBB2_14-.Ltmp6, $2  }
0x4a: {  	_ =	sdelay $0x2  }
0x4b: {  	s23 =	sadd.s32 $0x200, s23;
	s24 =	sadd.s32 s24, s20  }
.Ltmp7:
0x4c: {  	(pc) =	sbr.rel .LBB2_6-.Ltmp7, $3  }
0x4d: {  	_ =	sdelay $0x1  }
0x4e: {  	[tilespmem:s21], [sflag:$0x2] =	stream.linear.gather [hbm4b:s24+s3], $0x80, $0x38;
	[tilespmem:$0x10100] =	vst v63  }
0x4f: {  	s19 =	sadd.s32 $0x1, s19  }
.LBB2_16:
0x50: {  	_ =	swait.ge [sflag:s16], $0x4000  }
0x51: {  	s19 =	simm.s32 $0x100;
	s20 =	simm.s32 $0x10;
	[sflag:s16] =	ssyncset.done $0x0  }
0x52: {  	s22 =	sadd.s32 $0x0, s10;
	s21 =	simm.s32 $0x300;
	[sflag:s16] =	ssyncadd.s32 $0xFFFFC000  }
.LBB2_17:
0x53: {  	[hbm4b:s22+s3] =	stream.linear.scatter [tilespmem:s19], [sflag:$0x5], $0x80, $0x38;
	[tilespmem:$0x10100] =	vst v63  }
0x54: {  	s22 =	smov.u32 s20;
	s19 =	smov.u32 s21;
	p0 =	sne.s32 s20, $0x7F0  }
.Ltmp8:
0x55: {  	s20 =	sadd.s32 $0x10, s20;
	(pc) =	sbr.rel @p0 .LBB2_17-.Ltmp8, $2  }
0x56: {  	_ =	sdelay $0x2  }
0x57: {  	s21 =	sadd.s32 $0x200, s21;
	s22 =	sadd.s32 s22, s10  }
0x58: {  	s18 =	sadd.s32 $0x1, s18  }
0x59: {  	p0 =	sne.s32 s18, s11  }
.Ltmp9:
0x5a: {  	_ = 	snop;
	(pc) =	sbr.rel @p0 .LBB2_1-.Ltmp9, $4  }
0x5b: {  	[hbm4b:s22+s3] =	stream.linear.scatter [tilespmem:s19], [sflag:$0x5], $0x80, $0x38;
	[tilespmem:$0x10100] =	vst v63  }
0x5c: {  	_ =	swait.ge [sflag:s17], $0x4000  }
0x5d: {  	[sflag:s17] =	ssyncset.done $0x0  }
0x5e: {  	[sflag:s17] =	ssyncadd.s32 $0xFFFFC000  }
0x5f: {  	_ =	sfence.sel $0x180000  }
0x60: {  	[bflag:$0x0] =	sbarrier.arrive $0xFFFF  }
0x61: {  	p0 =	sne.s32 s2, $0x0;
	_ =	strace $0x9000004A  }
0x62: {  	s0 =	sadd.s32 @!p0 $0x100000, s0;
	[bflag:$0x2] =	sbarrier.arrive $0xFFFF  }
0x63: {  	[sflag:s0] =	ssyncadd.tile.s32 @!p0 $0x1;
	_ =	shalt  }
.Lfunc_end2:
_tile_overlayer_lowered:
.L_overlay_start_2:
0x64: {  	(tag) =	ssettag $0x2  }
0x65: {  	s0 =	rddreg [dreg:$0x0];
	s2 =	stileid.u32  }
0x66: {  	s1 =	rddreg [dreg:$0x1];
	p0 =	sne.s32 s2, $0x0  }
0x67: {  	s3 =	rddreg [dreg:$0x2];
	[bflag:$0x3] =	sbarrier.arrive $0xFFFF;
	s2 =	simm.s32 @!p0 $0x1C06  }
0x68: {  	[timem:s3], [sflag:s2] =	dma.local @!p0 [hbm:s0], s1  }
0x69: {  	s0 =	simm.s32 @!p0 $0x6  }
0x6a: {  	_ =	swait.ge @!p0 [sflag:s0], s1  }
0x6b: {  	s1 =	ssub.s32 @!p0 $0x0, s1;
	[sflag:s0] =	ssyncset.done @!p0 $0x0  }
0x6c: {  	[sflag:s0] =	ssyncadd.s32 @!p0 s1  }
0x6d: {  	[bflag:$0x3] =	sbarrier.arrive $0xFFFF  }
0x6e: {  	_ =	shalt  }

// kernel: sparse-core-data-format-call.cloned.1.call-start
scs
called_computation_lowered:
.L_overlay_start_0:
0x0: {  	s2 =	sld [smem:$0x3FD9]  }
0x1: {  	s3 =	sld [smem:$0x3FFE];
	_ =	sdelay $0x1  }
0x2: {  	s1 =	srdreg.scid  }
0x3: {  	s0 =	sand.u32 $0x1, s1  }
0x4: {  	s18 =	sshll.u32 s0, $0xA;
	s2 =	sadd.s32 s3, s2  }
0x5: {  	s2 =	sadd.s32 s2, s18  }
0x6: {  	[smem:$0x3FC6] =	sst s2  }
0x7: {  	_ = 	snop  }
0x8: {  	s2 =	sld [smem:$0x3FC8];
	(tm) =	ssettm $0x1  }
0x9: {  	s19 =	sld [smem:$0x3FFB];
	_ =	sdelay $0x3  }
0xa: {  	_ =	strace s19  }
0xb: {  	s3 =	sld [smem:$0x3FFC];
	_ =	sdelay $0x3  }
0xc: {  	_ =	strace s3  }
0xd: {  	s3 =	sld [smem:$0x3FFD];
	_ =	sdelay $0x3  }
0xe: {  	_ =	strace s3  }
0xf: {  	_ =	strace $0x8FFFFFFF  }
0x10: {  	s20 =	sld [smem:$0x3FDB];
	_ =	sdelay $0x1  }
0x11: {  	s4 =	simm.s32 $_scs_section_size  }
0x12: {  	s5 =	simm.s32 $_size__tile_overlayer_lowered;
	s6 =	simm.s32 $_tile_overlayer_lowered  }
0x13: {  	s23 =	simm.s32 $0x1BFF;
	s22 =	sshll.u32 s6, $0x1;
	s3 =	sadd.s32 s4, s20  }
0x14: {  	s7 =	simm.s32 $0x0;
	s21 =	sshll.u32 s5, $0x1;
	s5 =	sadd.s32 s22, s3  }
0x15: {  	[timem:s7], [sflag:s23] =	dma.local [hbm:s5], s21  }
0x16: {  	_ =	swait.ge [sflag:s23], s21  }
0x17: {  	s4 =	ssub.s32 $0x0, s21;
	[sflag:s23] =	ssyncset.done $0x0  }
0x18: {  	[sflag:s23] =	ssyncadd.s32 s4;
	_ =	sdelay $0x1  }
0x19: {  	s24 =	simm.s32 $0x1B8B  }
0x1a: {  	_ =	swait.ge [sflag:s24], $0x1  }
0x1b: {  	[sflag:s24] =	ssyncset.done $0x0  }
0x1c: {  	s26 =	simm.s32 $0x1B8E;
	s25 =	sld [smem:$0x3FFE];
	[sflag:s24] =	ssyncadd.s32 $0xFFFFFFFF  }
0x1d: {  	s27 =	simm.s32 $execute0_lowered;
	[smem:$0x3FD2] =	sst s26  }
0x1e: {  	s5 =	sshll.u32 s27, $0x1;
	_ =	strace $0x80000046;
	[dreg:$0x1] =	wrdreg $0xFFFFFFFF  }
0x1f: {  	s28 =	simm.s32 $_size_execute0_lowered;
	s3 =	sadd.s32 s3, s5;
	[dreg:$0x0] =	wrdreg $0x0  }
0x20: {  	s5 =	sshll.u32 s28, $0x1;
	[dreg:$0x2] =	wrdreg s3  }
0x21: {  	[dreg:$0x3] =	wrdreg s5  }
0x22: {  	[dreg:$0x4] =	wrdreg $0xC0  }
0x23: {  	_ =	task [dreg:s7], $0x5FFFF  }
0x24: {  	[dreg:$0x1] =	wrdreg $0xFFFFFFFF  }
0x25: {  	[dreg:$0x0] =	wrdreg $0x60  }
0x26: {  	[dreg:$0x2] =	wrdreg s2  }
0x27: {  	[dreg:$0x3] =	wrdreg s25  }
0x28: {  	[dreg:$0x4] =	wrdreg $0x9  }
0x29: {  	_ =	task.clear_ibuf [dreg:s7], $0x5FFFF;
	_ =	strace $0x90000046  }
0x2a: {  	s29 =	simm.s32 $0x9;
	_ =	strace $0x80000048  }
0x2b: {  	_ =	swait.ge [sflag:s29], $0x1  }
0x2c: {  	[sflag:s29] =	ssyncadd.s32 $0xFFFFFFFF  }
0x2d: {  	_ =	strace $0x90000048  }
0x2e: {  	_ =	sfence  }
0x2f: {  	s30 =	sld [smem:$0x0];
	_ =	sdelay $0x2  }
0x30: {  	s31 =	sshll.u32 s1, $0xD;
	s1 =	sshrl.u32 s1, $0x2  }
0x31: {  	s3 =	sand.u32 $0x4000, s31;
	s1 =	sadd.s32 s1, s30  }
0x32: {  	s0 =	sor.u32 s3, s0;
	s1 =	sshll.u32 s1, $0x11  }
0x33: {  	s0 =	sor.u32 s1, s0  }
0x34: {  	s0 =	sadd.s32 $0x8F2B, s0  }
0x35: {  	[sflag:s0] =	ssyncadd.remote.s32 $0x1  }
0x36: {  	_ =	sfence.sel $0xFFFF  }
0x37: {  	[dreg:$0x0] =	wrdreg $0xFFFFFFFF;
	(pc) =	sbr.abs _section_cstart, $3  }
0x38: {  	[dreg:$0x1] =	wrdreg $0xFFFFFFFF  }
0x39: {  	_ =	task.clear_ibuf [dreg:s7], $0x2FFFF;
	_ =	strace $0x9FFFFFFF  }
0x3a: {  	(tm) =	ssettm $0x7FFFFFFF  }
0x3b: {  	_ =	shalt  }
tec
execute0_lowered:
.L_overlay_start_1:
0x0: {  	(tag) =	ssettag $0x1  }
0x1: {  	s0 =	srdreg.scid  }
0x2: {  	s1 =	sshll.u32 s0, $0x4  }
0x3: {  	s2 =	rddreg [dreg:$0x0];
	s0 =	stileid.u32;
	s1 =	sand.u32 $0x10, s1  }
0x4: {  	s4 =	rddreg [dreg:$0x1];
	s7 =	simm.s32 $0x1;
	s1 =	sor.u32 s0, s1  }
0x5: {  	s8 =	simm.s32 $0x2;
	s9 =	simm.s32 $0x0;
	s3 =	sshll.u32 s1, $0x2  }
0x6: {  	s12 =	simm.s32 $0x0;
	s11 =	simm.s32 $0x0;
	s6 =	ssub.s32 $0x1000, s3  }
.Ltmp0:
0x7: {  	s4 =	sadd.s32 $0x800, s4;
	s5 =	sand.u32 $0x7C, s6;
	(pc) =	sbr.rel .LBB1_1-.Ltmp0, $4  }
0x8: {  	s1 =	rddreg [dreg:$0x2];
	_ =	strace $0x80000047;
	p0 =	sne.s32 s5, $0x0  }
0x9: {  	s6 =	sshrl.u32 s6, $0x7;
	s5 =	simm.s32 $0x1;
	s7 =	simm.s32 @!p0 $0x0  }
0xa: {  	s10 =	smov.u32 s3;
	[sflag:s5] =	ssyncpa.u1 $0x0;
	s6 =	sadd.s32 s7, s6  }
0xb: {  	[sflag:s8] =	ssyncpa.u1 $0x0;
	s8 =	simm.s32 $0x0;
	s7 =	sadd.s32 $0x1, s6  }
.LBB1_9:
0xc: {  	s14 =	sadd.s32 $0x80, s10  }
0xd: {  	p1 =	sgt.s32 s14, $0xFFF  }
0xe: {  	s14 =	smov.u32 @p1 s3;
	p1 =	sne.s32 s11, s7  }
.Ltmp1:
0xf: {  	p0 =	slt.u32 s11, $0x2;
	(pc) =	sbr.rel @!p1 .LBB1_10-.Ltmp1, $4  }
0x10: {  	s13 =	simm.s32 @!p0 $0x2  }
0x11: {  	s15 =	sadd.s32 $0x1, s11;
	_ =	swait.ge @!p0 [sflag:s13], $0x4000  }
0x12: {  	s12 =	smov.u32 s10;
	s9 =	sadd.s32 $0x4000, s9;
	[sflag:s13] =	ssyncset.done @!p0 $0x0  }
0x13: {  	s11 =	smov.u32 s15;
	s10 =	smov.u32 s14;
	[sflag:s13] =	ssyncadd.s32 @!p0 $0xFFFFC000  }
.LBB1_1:
0x14: {  	p0 =	sge.u32 s11, s6  }
0x15: {  	s13 =	sxor.u32 @!p0 $0xFFFFFFFF, s11  }
0x16: {  	s31 =	sadd.s32 $0xFFFFFFFF, s11;
	s14 =	sshll.u32 @!p0 s10, $0x9;
	s13 =	sshll.u32 @!p0 s13, $0xE  }
0x17: {  	s15 =	simm.s32 @!p0 $0x0;
	s14 =	sadd.s32 @!p0 s2, s14;
	s13 =	sand.u32 @!p0 $0x4000, s13  }
0x18: {  	[tilespmem:s13], [sflag:$0x1] =	stream.linear.gather @!p0 [hbm4b:s14+s15], $0x4000, $0x38;
	[tilespmem:$0x10000] =	vst v63  }
0x19: {  	p0 =	sge.u32 s31, s6  }
.Ltmp2:
0x1a: {  	_ = 	snop;
	(pc) =	sbr.rel @p0 .LBB1_9-.Ltmp2, $1  }
0x1b: {  	_ =	sdelay $0x3  }
0x1c: {  	s14 =	sand.u32 $0x4000, s9  }
0x1d: {  	_ =	swait.ge [sflag:s5], $0x4000;
	s15 =	sshll.u32 s11, $0xE;
	s16 =	simm.s32 $0x0  }
0x1e: {  	s13 =	sor.u32 $0x40, s14;
	[sflag:s5] =	ssyncset.done $0x0;
	s15 =	sand.u32 $0x4000, s15  }
0x1f: {  	s14 =	sor.u32 $0x8040, s14;
	[sflag:s5] =	ssyncadd.s32 $0xFFFFC000;
	s15 =	sor.u32 $0x8000, s15  }
.LBB1_3:
0x20: {  	s17 =	smov.u32 s14;
	s18 =	smov.u32 s13;
	s19 =	simm.s32 $0x0  }
.LBB1_4:
0x21: {  	v0 =	vmov s17;
	v2 =	vld [tilespmem:s18+$0x30]  }
0x22: {  	v4 =	vld [tilespmem:s18+$0xFFFFFFD0]  }
0x23: {  	v6 =	vld [tilespmem:s18+$0xFFFFFFE0]  }
0x24: {  	v7 =	vld [tilespmem:s18+$0xFFFFFFF0]  }
0x25: {  	s20 =	simm.s32 $0x0;
	v1 =	vld [tilespmem:s18+$0x0]  }
0x26: {  	v3 =	vld [tilespmem:s18+$0x10];
	[tilespmem:v0+s20+$0x30 ss:$0x1] =	vst.idx.msk $0xffff, v2  }
0x27: {  	v5 =	vld [tilespmem:s18+$0x20];
	[tilespmem:v0+s20+$0xFFFFFFD0 ss:$0x1] =	vst.idx.msk $0xffff, v4  }
0x28: {  	s21 =	sadd.s32 $0x80, s18;
	v2 =	vld [tilespmem:s18+$0xFFFFFFC0];
	[tilespmem:v0+s20+$0xFFFFFFE0 ss:$0x1] =	vst.idx.msk $0xffff, v6  }
0x29: {  	s22 =	simm.s32 $0x800;
	s23 =	simm.s32 $0x1000;
	v4 =	vld [tilespmem:s21+$0x30];
	[tilespmem:v0+s20+$0xFFFFFFF0 ss:$0x1] =	vst.idx.msk $0xffff, v7  }
.LBB1_5:
0x2a: {  	p0 =	sne.s32 s23, $0x3800;
	v6 =	vld [tilespmem:s21+$0xFFFFFFD0];
	[tilespmem:v0+s20+$0x0 ss:$0x1] =	vst.idx.msk $0xffff, v1  }
0x2b: {  	v7 =	vld [tilespmem:s21+$0xFFFFFFE0];
	[tilespmem:v0+s20+$0x10 ss:$0x1] =	vst.idx.msk $0xffff, v3  }
0x2c: {  	v8 =	vld [tilespmem:s21+$0xFFFFFFF0];
	[tilespmem:v0+s20+$0x20 ss:$0x1] =	vst.idx.msk $0xffff, v5  }
.Ltmp3:
0x2d: {  	v1 =	vld [tilespmem:s21+$0x0];
	[tilespmem:v0+s20+$0xFFFFFFC0 ss:$0x1] =	vst.idx.msk $0xffff, v2;
	s20 =	sshra.s32 s22, $0x2;
	s22 =	smov.u32 s23;
	(pc) =	sbr.rel @p0 .LBB1_5-.Ltmp3, $4  }
0x2e: {  	v3 =	vld [tilespmem:s21+$0x10];
	[tilespmem:v0+s20+$0x30 ss:$0x1] =	vst.idx.msk $0xffff, v4  }
0x2f: {  	[tilespmem:v0+s20+$0xFFFFFFD0 ss:$0x1] =	vst.idx.msk $0xffff, v6;
	v5 =	vld [tilespmem:s21+$0x20]  }
0x30: {  	v2 =	vld [tilespmem:s21+$0xFFFFFFC0];
	[tilespmem:v0+s20+$0xFFFFFFE0 ss:$0x1] =	vst.idx.msk $0xffff, v7;
	s21 =	sadd.s32 $0x80, s21  }
0x31: {  	s23 =	sadd.s32 $0x800, s23;
	v4 =	vld [tilespmem:s21+$0x30];
	[tilespmem:v0+s20+$0xFFFFFFF0 ss:$0x1] =	vst.idx.msk $0xffff, v8  }
0x32: {  	_ =	sdelay $0x3  }
0x33: {  	v6 =	vld [tilespmem:s21+$0xFFFFFFD0];
	[tilespmem:v0+s20+$0x0 ss:$0x1] =	vst.idx.msk $0xffff, v1  }
0x34: {  	v58 =	vld [tilespmem:s21+$0xFFFFFFE0];
	[tilespmem:v0+s20+$0x10 ss:$0x1] =	vst.idx.msk $0xffff, v3  }
0x35: {  	v59 =	vld [tilespmem:s21+$0xFFFFFFF0];
	[tilespmem:v0+s20+$0x20 ss:$0x1] =	vst.idx.msk $0xffff, v5  }
0x36: {  	s22 =	sshra.s32 s22, $0x2;
	v60 =	vld [tilespmem:s21+$0x0];
	[tilespmem:v0+s20+$0xFFFFFFC0 ss:$0x1] =	vst.idx.msk $0xffff, v2  }
0x37: {  	v61 =	vld [tilespmem:s21+$0x10];
	[tilespmem:v0+s22+$0x30 ss:$0x1] =	vst.idx.msk $0xffff, v4  }
0x38: {  	v62 =	vld [tilespmem:s21+$0x20];
	s19 =	sadd.s32 $0x1, s19;
	[tilespmem:v0+s22+$0xFFFFFFD0 ss:$0x1] =	vst.idx.msk $0xffff, v6  }
0x39: {  	v63 =	vld [tilespmem:s21+$0xFFFFFFC0];
	p0 =	sne.s32 s19, $0x4;
	[tilespmem:v0+s22+$0xFFFFFFE0 ss:$0x1] =	vst.idx.msk $0xffff, v58  }
.Ltmp4:
0x3a: {  	[tilespmem:v0+s22+$0xFFFFFFF0 ss:$0x1] =	vst.idx.msk $0xffff, v59;
	(pc) =	sbr.rel @p0 .LBB1_4-.Ltmp4, $4  }
0x3b: {  	[tilespmem:v0+s22+$0x0 ss:$0x1] =	vst.idx.msk $0xffff, v60  }
0x3c: {  	[tilespmem:v0+s22+$0x10 ss:$0x1] =	vst.idx.msk $0xffff, v61  }
0x3d: {  	[tilespmem:v0+s22+$0x20 ss:$0x1] =	vst.idx.msk $0xffff, v62  }
0x3e: {  	s18 =	sadd.s32 $0x400, s18;
	s17 =	sadd.s32 $0x80, s17;
	[tilespmem:v0+s22+$0xFFFFFFC0 ss:$0x1] =	vst.idx.msk $0xffff, v63  }
0x3f: {  	s16 =	sadd.s32 $0x1, s16  }
0x40: {  	p0 =	sne.s32 s16, $0x4  }
.Ltmp5:
0x41: {  	_ = 	snop;
	(pc) =	sbr.rel @p0 .LBB1_3-.Ltmp5, $2  }
0x42: {  	_ =	sdelay $0x2  }
0x43: {  	s13 =	sadd.s32 $0x1000, s13;
	s14 =	sadd.s32 $0x1000, s14  }
.Ltmp6:
0x44: {  	(pc) =	sbr.rel .LBB1_9-.Ltmp6, $4  }
0x45: {  	_ = 	snop  }
0x46: {  	s12 =	sshll.u32 s12, $0x9  }
0x47: {  	s12 =	sadd.s32 s4, s12  }
0x48: {  	[hbm4b:s12+s8] =	stream.linear.scatter [tilespmem:s15], [sflag:$0x2], $0x4000, $0x38;
	[tilespmem:$0x10000] =	vst v63  }
.LBB1_10:
0x49: {  	_ =	sfence.sel $0x180000  }
0x4a: {  	s2 =	simm.s32 $0x1;
	[bflag:$0x0] =	sbarrier.arrive $0xFFFF  }
0x4b: {  	s31 =	simm.s32 $0x2;
	[sflag:s2] =	ssyncpa.u1 $0x1  }
0x4c: {  	[sflag:s31] =	ssyncpa.u1 $0x1  }
0x4d: {  	p0 =	sne.s32 s0, $0x0;
	_ =	strace $0x90000047  }
0x4e: {  	s0 =	sadd.s32 @!p0 $0x100000, s1;
	[bflag:$0x2] =	sbarrier.arrive $0xFFFF  }
0x4f: {  	[sflag:s0] =	ssyncadd.tile.s32 @!p0 $0x1;
	_ =	shalt  }
.Lfunc_end1:
_tile_overlayer_lowered:
.L_overlay_start_2:
0x50: {  	(tag) =	ssettag $0x2  }
0x51: {  	s0 =	rddreg [dreg:$0x0];
	s2 =	stileid.u32  }
0x52: {  	s1 =	rddreg [dreg:$0x1];
	p0 =	sne.s32 s2, $0x0  }
0x53: {  	s3 =	rddreg [dreg:$0x2];
	[bflag:$0x3] =	sbarrier.arrive $0xFFFF;
	s2 =	simm.s32 @!p0 $0x1C01  }
0x54: {  	[timem:s3], [sflag:s2] =	dma.local @!p0 [hbm:s0], s1  }
0x55: {  	s0 =	simm.s32 @!p0 $0x1  }
0x56: {  	_ =	swait.ge @!p0 [sflag:s0], s1  }
0x57: {  	s1 =	ssub.s32 @!p0 $0x0, s1;
	[sflag:s0] =	ssyncset.done @!p0 $0x0  }
0x58: {  	[sflag:s0] =	ssyncadd.s32 @!p0 s1  }
0x59: {  	[bflag:$0x3] =	sbarrier.arrive $0xFFFF  }
0x5a: {  	_ =	shalt  }

</sc_bundles>
